<compile_context>
chip_gen: v7x
topology: tpu7x:2x2x1
jax: 0.10.2.dev20260603
libtpu: 0.0.44.dev20260713+nightly
codegen_flags: <defaults>
</compile_context>

<pallas_src>
import jax
import jax.numpy as jnp
from jax import lax
from jax.experimental import pallas as pl
from jax.experimental.pallas import tpu as pltpu
from jax.experimental.pallas import tpu_sc as plsc

VOCAB = 1000000
MAX_SEQ = 2048
DIM = 64
BATCH = 32

NUM_CORES = 2
CHUNK = 256
NUM_CHUNKS = MAX_SEQ // CHUNK
IDX_ROWS = CHUNK // 128
LANES = 16
VECS = DIM // LANES


def _sc_body(x_hbm, tok_hbm, pos_hbm, out_hbm,
             idx_v, rows2_v, out_v, pos_v, sem):
    b = lax.axis_index("s") * NUM_CORES + lax.axis_index("c")

    def chunk_body(c, _):
        off = pl.multiple_of(c * CHUNK, CHUNK)
        for q in range(IDX_ROWS):
            pltpu.sync_copy(
                x_hbm.at[b, pl.ds(off + q * 128, 128)], idx_v.at[q])

        copies = [
            pltpu.async_copy(
                tok_hbm.at[idx_v.at[q]],
                rows2_v.at[pl.ds(q * 128, 128), :], sem)
            for q in range(IDX_ROWS)
        ]
        pltpu.sync_copy(pos_hbm.at[pl.ds(off, CHUNK), :], pos_v)
        for cp in copies:
            cp.wait()

        def add_row(j, _):
            for v in range(VECS):
                s = pl.ds(v * LANES, LANES)
                out_v[j, s] = rows2_v[j, s] + pos_v[j, s]
            return 0

        lax.fori_loop(0, CHUNK, add_row, 0)
        pltpu.sync_copy(out_v, out_hbm.at[pl.ds(b * MAX_SEQ + off, CHUNK), :])
        return 0

    lax.fori_loop(0, NUM_CHUNKS, chunk_body, 0)


@jax.jit
def kernel(x, token_table, pos_table):
    tok_wide = jnp.pad(token_table, ((0, 0), (0, DIM)))
    mesh = plsc.VectorSubcoreMesh(core_axis_name="c", subcore_axis_name="s")
    out = pl.kernel(
        _sc_body,
        out_type=jax.ShapeDtypeStruct((BATCH * MAX_SEQ, DIM), jnp.float32),
        mesh=mesh,
        scratch_types=[
            pltpu.VMEM((IDX_ROWS, 128), jnp.int32),
            pltpu.VMEM((CHUNK, 2 * DIM), jnp.float32),
            pltpu.VMEM((CHUNK, DIM), jnp.float32),
            pltpu.VMEM((CHUNK, DIM), jnp.float32),
            pltpu.SemaphoreType.DMA,
        ],
    )(x, tok_wide, pos_table)
    return out.reshape(BATCH, MAX_SEQ, DIM)

# --- scband reference (transcript-rebuilt; emitter-appended) ---
"""Pipeline reference for scband-token-positional-embedding-37821482009232 (READ-ONLY COPY).

The authoritative reference and input builder live on the scoring server;
editing this copy changes nothing except your own understanding.
"""

import jax, jax.numpy as jnp
import numpy as np

VOCAB = 1000000
MAX_SEQ = 2048
DIM = 64
BATCH = 32

def setup_inputs(seed: int = 0) -> dict:
    key = jax.random.key(seed)
    k_x, k_tok, k_pos = jax.random.split(key, 3)
    x = jax.random.randint(k_x, (BATCH, MAX_SEQ), 0, VOCAB, dtype=jnp.int64 if jax.config.jax_enable_x64 else jnp.int32)
    token_table = jax.random.normal(k_tok, (VOCAB, DIM), dtype=jnp.float32) * 0.02
    pos_table = jax.random.normal(k_pos, (MAX_SEQ, DIM), dtype=jnp.float32) * 0.02
    return {"x": x, "token_table": token_table, "pos_table": pos_table}

def reference(x, token_table, pos_table):
    # token embedding lookup: gather rows of the table
    tok = jnp.take(token_table, x, axis=0)              # [B, S, D]
    # positional embedding: positions = arange(max_seq_len) expanded over batch
    positions = jnp.arange(0, MAX_SEQ, dtype=x.dtype)   # [S]
    pos = jnp.take(pos_table, positions, axis=0)        # [S, D]
    out = tok + pos[None, :, :]                         # broadcast over batch
    return out

if __name__ == "__main__":
    import jax
    _d = setup_inputs()
    print(jax.jit(kernel)(*tuple(_d.values())))

</pallas_src>

<mosaic_0001>
#map = affine_map<(d0, d1) -> (0, 0)>
module attributes {stable_mosaic.version = 14 : i64} {
  func.func @_sc_body(%arg0: i32, %arg1: i32, %arg2: memref<32x2048xi32, #tpu.memory_space<hbm>>, %arg3: memref<1000000x128xf32, #tpu.memory_space<hbm>>, %arg4: memref<2048x64xf32, #tpu.memory_space<hbm>>, %arg5: memref<65536x64xf32, #tpu.memory_space<hbm>>, %arg6: memref<2x128xi32, #tpu.memory_space<vmem>>, %arg7: memref<256x128xf32, #tpu.memory_space<vmem>>, %arg8: memref<256x64xf32, #tpu.memory_space<vmem>>, %arg9: memref<256x64xf32, #tpu.memory_space<vmem>>, %arg10: memref<!tpu.dma_semaphore, #tpu.memory_space<semaphore_mem>>) attributes {dimension_semantics = [#tpu.dimension_semantics<core_parallel>, #tpu.dimension_semantics<subcore_parallel>], iteration_bounds = array<i64: 2, 16>, scalar_prefetch = 0 : i64, scratch_operands = 5 : i64, tpu.core_type = #tpu.core_type<sc_vector_subcore>, window_params = [{transform_indices = #map}, {transform_indices = #map}, {transform_indices = #map}, {transform_indices = #map}]} {
    %mul3A = arith.constant 2 : i32
    %mul3A_0 = arith.muli %arg1, %mul3A : i32
    %add3A = arith.addi %mul3A_0, %arg0 : i32
    %scan3A = arith.constant 0 : i32
    %scan3A_1 = arith.constant 0 : i32
    %scan3A_2 = arith.constant 8 : i32
    %scan3A_3 = arith.addi %scan3A_1, %scan3A_2 : i32
    %scan3A_4 = arith.constant 1 : i32
    %scan3A_5 = scf.for %scan3A_7 = %scan3A_1 to %scan3A_3 step %scan3A_4 iter_args(%scan3A_8 = %scan3A) -> (i32)  : i32 {
      %mul3A_9 = arith.constant 256 : i32
      %mul3A_10 = arith.muli %scan3A_7, %mul3A_9 : i32
      %multiple_of3A = tpu.assume_multiple %mul3A_10, 256 : i32
      %add3A_11 = arith.constant 0 : i32
      %add3A_12 = arith.addi %multiple_of3A, %add3A_11 : i32
      %run_scoped3A = arith.constant 0 : i32
      "tpu.region"() ({
        %run_scoped3A_65 = tpu.sem_alloc : memref<!tpu.dma_semaphore, #tpu.memory_space<semaphore_mem>>
        %dma_start3A_66 = arith.constant 0 : i32
        %dma_start3A_67 = tpu.memref_slice %arg6[%run_scoped3A, %dma_start3A_66] : memref<2x128xi32, #tpu.memory_space<vmem>> -> memref<1x128xi32, #tpu.memory_space<vmem>>
        %dma_start3A_68 = tpu.memref_squeeze %dma_start3A_67 : memref<1x128xi32, #tpu.memory_space<vmem>> -> memref<128xi32, #tpu.memory_space<vmem>>
        %dma_start3A_69 = tpu.memref_slice %arg2[%add3A, %add3A_12] : memref<32x2048xi32, #tpu.memory_space<hbm>> -> memref<1x128xi32, #tpu.memory_space<hbm>>
        %dma_start3A_70 = tpu.memref_squeeze %dma_start3A_69 : memref<1x128xi32, #tpu.memory_space<hbm>> -> memref<128xi32, #tpu.memory_space<hbm>>
        %dma_start3A_71 = arith.constant 0 : i32
        %dma_start3A_72 = tpu.memref_slice %arg6[%run_scoped3A, %dma_start3A_71] : memref<2x128xi32, #tpu.memory_space<vmem>> -> memref<1x128xi32, #tpu.memory_space<vmem>>
        %dma_start3A_73 = tpu.memref_squeeze %dma_start3A_72 : memref<1x128xi32, #tpu.memory_space<vmem>> -> memref<128xi32, #tpu.memory_space<vmem>>
        %dma_start3A_74 = tpu.memref_slice %arg2[%add3A, %add3A_12] : memref<32x2048xi32, #tpu.memory_space<hbm>> -> memref<1x128xi32, #tpu.memory_space<hbm>>
        %dma_start3A_75 = tpu.memref_squeeze %dma_start3A_74 : memref<1x128xi32, #tpu.memory_space<hbm>> -> memref<128xi32, #tpu.memory_space<hbm>>
        tpu.enqueue_dma source(%dma_start3A_75 : memref<128xi32, #tpu.memory_space<hbm>>) target(%dma_start3A_73 : memref<128xi32, #tpu.memory_space<vmem>>) target_semaphore(%run_scoped3A_65 : memref<!tpu.dma_semaphore, #tpu.memory_space<semaphore_mem>>)
        %dma_wait3A_76 = arith.constant 0 : i32
        %dma_wait3A_77 = tpu.memref_slice %arg6[%run_scoped3A, %dma_wait3A_76] : memref<2x128xi32, #tpu.memory_space<vmem>> -> memref<1x128xi32, #tpu.memory_space<vmem>>
        %dma_wait3A_78 = tpu.memref_squeeze %dma_wait3A_77 : memref<1x128xi32, #tpu.memory_space<vmem>> -> memref<128xi32, #tpu.memory_space<vmem>>
        %dma_wait3A_79 = tpu.memref_slice %arg2[%add3A, %add3A_12] : memref<32x2048xi32, #tpu.memory_space<hbm>> -> memref<1x128xi32, #tpu.memory_space<hbm>>
        %dma_wait3A_80 = tpu.memref_squeeze %dma_wait3A_79 : memref<1x128xi32, #tpu.memory_space<hbm>> -> memref<128xi32, #tpu.memory_space<hbm>>
        %dma_wait3A_81 = arith.constant 0 : i32
        %dma_wait3A_82 = tpu.memref_slice %arg6[%run_scoped3A, %dma_wait3A_81] : memref<2x128xi32, #tpu.memory_space<vmem>> -> memref<1x128xi32, #tpu.memory_space<vmem>>
        %dma_wait3A_83 = tpu.memref_squeeze %dma_wait3A_82 : memref<1x128xi32, #tpu.memory_space<vmem>> -> memref<128xi32, #tpu.memory_space<vmem>>
        %dma_wait3A_84 = tpu.memref_slice %arg2[%add3A, %add3A_12] : memref<32x2048xi32, #tpu.memory_space<hbm>> -> memref<1x128xi32, #tpu.memory_space<hbm>>
        %dma_wait3A_85 = tpu.memref_squeeze %dma_wait3A_84 : memref<1x128xi32, #tpu.memory_space<hbm>> -> memref<128xi32, #tpu.memory_space<hbm>>
        tpu.wait_dma2 semaphore(%run_scoped3A_65 : memref<!tpu.dma_semaphore, #tpu.memory_space<semaphore_mem>>) src(%dma_wait3A_85 : memref<128xi32, #tpu.memory_space<hbm>>) dst(%dma_wait3A_83 : memref<128xi32, #tpu.memory_space<vmem>>)
        tpu.yield
      }) : () -> ()
      %add3A_13 = arith.constant 128 : i32
      %add3A_14 = arith.addi %multiple_of3A, %add3A_13 : i32
      %run_scoped3A_15 = arith.constant 1 : i32
      "tpu.region"() ({
        %run_scoped3A_65 = tpu.sem_alloc : memref<!tpu.dma_semaphore, #tpu.memory_space<semaphore_mem>>
        %dma_start3A_66 = arith.constant 0 : i32
        %dma_start3A_67 = tpu.memref_slice %arg6[%run_scoped3A_15, %dma_start3A_66] : memref<2x128xi32, #tpu.memory_space<vmem>> -> memref<1x128xi32, #tpu.memory_space<vmem>>
        %dma_start3A_68 = tpu.memref_squeeze %dma_start3A_67 : memref<1x128xi32, #tpu.memory_space<vmem>> -> memref<128xi32, #tpu.memory_space<vmem>>
        %dma_start3A_69 = tpu.memref_slice %arg2[%add3A, %add3A_14] : memref<32x2048xi32, #tpu.memory_space<hbm>> -> memref<1x128xi32, #tpu.memory_space<hbm>>
        %dma_start3A_70 = tpu.memref_squeeze %dma_start3A_69 : memref<1x128xi32, #tpu.memory_space<hbm>> -> memref<128xi32, #tpu.memory_space<hbm>>
        %dma_start3A_71 = arith.constant 0 : i32
        %dma_start3A_72 = tpu.memref_slice %arg6[%run_scoped3A_15, %dma_start3A_71] : memref<2x128xi32, #tpu.memory_space<vmem>> -> memref<1x128xi32, #tpu.memory_space<vmem>>
        %dma_start3A_73 = tpu.memref_squeeze %dma_start3A_72 : memref<1x128xi32, #tpu.memory_space<vmem>> -> memref<128xi32, #tpu.memory_space<vmem>>
        %dma_start3A_74 = tpu.memref_slice %arg2[%add3A, %add3A_14] : memref<32x2048xi32, #tpu.memory_space<hbm>> -> memref<1x128xi32, #tpu.memory_space<hbm>>
        %dma_start3A_75 = tpu.memref_squeeze %dma_start3A_74 : memref<1x128xi32, #tpu.memory_space<hbm>> -> memref<128xi32, #tpu.memory_space<hbm>>
        tpu.enqueue_dma source(%dma_start3A_75 : memref<128xi32, #tpu.memory_space<hbm>>) target(%dma_start3A_73 : memref<128xi32, #tpu.memory_space<vmem>>) target_semaphore(%run_scoped3A_65 : memref<!tpu.dma_semaphore, #tpu.memory_space<semaphore_mem>>)
        %dma_wait3A_76 = arith.constant 0 : i32
        %dma_wait3A_77 = tpu.memref_slice %arg6[%run_scoped3A_15, %dma_wait3A_76] : memref<2x128xi32, #tpu.memory_space<vmem>> -> memref<1x128xi32, #tpu.memory_space<vmem>>
        %dma_wait3A_78 = tpu.memref_squeeze %dma_wait3A_77 : memref<1x128xi32, #tpu.memory_space<vmem>> -> memref<128xi32, #tpu.memory_space<vmem>>
        %dma_wait3A_79 = tpu.memref_slice %arg2[%add3A, %add3A_14] : memref<32x2048xi32, #tpu.memory_space<hbm>> -> memref<1x128xi32, #tpu.memory_space<hbm>>
        %dma_wait3A_80 = tpu.memref_squeeze %dma_wait3A_79 : memref<1x128xi32, #tpu.memory_space<hbm>> -> memref<128xi32, #tpu.memory_space<hbm>>
        %dma_wait3A_81 = arith.constant 0 : i32
        %dma_wait3A_82 = tpu.memref_slice %arg6[%run_scoped3A_15, %dma_wait3A_81] : memref<2x128xi32, #tpu.memory_space<vmem>> -> memref<1x128xi32, #tpu.memory_space<vmem>>
        %dma_wait3A_83 = tpu.memref_squeeze %dma_wait3A_82 : memref<1x128xi32, #tpu.memory_space<vmem>> -> memref<128xi32, #tpu.memory_space<vmem>>
        %dma_wait3A_84 = tpu.memref_slice %arg2[%add3A, %add3A_14] : memref<32x2048xi32, #tpu.memory_space<hbm>> -> memref<1x128xi32, #tpu.memory_space<hbm>>
        %dma_wait3A_85 = tpu.memref_squeeze %dma_wait3A_84 : memref<1x128xi32, #tpu.memory_space<hbm>> -> memref<128xi32, #tpu.memory_space<hbm>>
        tpu.wait_dma2 semaphore(%run_scoped3A_65 : memref<!tpu.dma_semaphore, #tpu.memory_space<semaphore_mem>>) src(%dma_wait3A_85 : memref<128xi32, #tpu.memory_space<hbm>>) dst(%dma_wait3A_83 : memref<128xi32, #tpu.memory_space<vmem>>)
        tpu.yield
      }) : () -> ()
      %dma_start3A = arith.constant 0 : i32
      %dma_start3A_16 = arith.constant 0 : i32
      %dma_start3A_17 = arith.constant 0 : i32
      %dma_start3A_18 = tpu.memref_slice %arg7[%dma_start3A_16, %dma_start3A_17] : memref<256x128xf32, #tpu.memory_space<vmem>> -> memref<128x128xf32, #tpu.memory_space<vmem>>
      %dma_start3A_19 = arith.constant 0 : i32
      %dma_start3A_20 = tpu.memref_slice %arg6[%dma_start3A, %dma_start3A_19] : memref<2x128xi32, #tpu.memory_space<vmem>> -> memref<1x128xi32, #tpu.memory_space<vmem>>
      %dma_start3A_21 = tpu.memref_squeeze %dma_start3A_20 : memref<1x128xi32, #tpu.memory_space<vmem>> -> memref<128xi32, #tpu.memory_space<vmem>>
      %dma_start3A_22 = arith.constant 0 : i32
      %dma_start3A_23 = arith.constant 0 : i32
      %dma_start3A_24 = tpu.memref_slice %arg3[%dma_start3A_22, %dma_start3A_23] : memref<1000000x128xf32, #tpu.memory_space<hbm>> -> memref<1000000x128xf32, #tpu.memory_space<hbm>>
      tpu.enqueue_indirect_dma source(%dma_start3A_24 : memref<1000000x128xf32, #tpu.memory_space<hbm>>) target(%dma_start3A_18 : memref<128x128xf32, #tpu.memory_space<vmem>>) offsets(%dma_start3A_21 : memref<128xi32, #tpu.memory_space<vmem>>) semaphore(%arg10 : memref<!tpu.dma_semaphore, #tpu.memory_space<semaphore_mem>>)
      %dma_start3A_25 = arith.constant 1 : i32
      %dma_start3A_26 = arith.constant 128 : i32
      %dma_start3A_27 = arith.constant 0 : i32
      %dma_start3A_28 = tpu.memref_slice %arg7[%dma_start3A_26, %dma_start3A_27] : memref<256x128xf32, #tpu.memory_space<vmem>> -> memref<128x128xf32, #tpu.memory_space<vmem>>
      %dma_start3A_29 = arith.constant 0 : i32
      %dma_start3A_30 = tpu.memref_slice %arg6[%dma_start3A_25, %dma_start3A_29] : memref<2x128xi32, #tpu.memory_space<vmem>> -> memref<1x128xi32, #tpu.memory_space<vmem>>
      %dma_start3A_31 = tpu.memref_squeeze %dma_start3A_30 : memref<1x128xi32, #tpu.memory_space<vmem>> -> memref<128xi32, #tpu.memory_space<vmem>>
      %dma_start3A_32 = arith.constant 0 : i32
      %dma_start3A_33 = arith.constant 0 : i32
      %dma_start3A_34 = tpu.memref_slice %arg3[%dma_start3A_32, %dma_start3A_33] : memref<1000000x128xf32, #tpu.memory_space<hbm>> -> memref<1000000x128xf32, #tpu.memory_space<hbm>>
      tpu.enqueue_indirect_dma source(%dma_start3A_34 : memref<1000000x128xf32, #tpu.memory_space<hbm>>) target(%dma_start3A_28 : memref<128x128xf32, #tpu.memory_space<vmem>>) offsets(%dma_start3A_31 : memref<128xi32, #tpu.memory_space<vmem>>) semaphore(%arg10 : memref<!tpu.dma_semaphore, #tpu.memory_space<semaphore_mem>>)
      "tpu.region"() ({
        %run_scoped3A_65 = tpu.sem_alloc : memref<!tpu.dma_semaphore, #tpu.memory_space<semaphore_mem>>
        %dma_start3A_66 = arith.constant 0 : i32
        %dma_start3A_67 = tpu.memref_slice %arg4[%multiple_of3A, %dma_start3A_66] : memref<2048x64xf32, #tpu.memory_space<hbm>> -> memref<256x64xf32, #tpu.memory_space<hbm>>
        %dma_start3A_68 = arith.constant 0 : i32
        %dma_start3A_69 = tpu.memref_slice %arg4[%multiple_of3A, %dma_start3A_68] : memref<2048x64xf32, #tpu.memory_space<hbm>> -> memref<256x64xf32, #tpu.memory_space<hbm>>
        tpu.enqueue_dma source(%dma_start3A_69 : memref<256x64xf32, #tpu.memory_space<hbm>>) target(%arg9 : memref<256x64xf32, #tpu.memory_space<vmem>>) target_semaphore(%run_scoped3A_65 : memref<!tpu.dma_semaphore, #tpu.memory_space<semaphore_mem>>)
        %dma_wait3A_70 = arith.constant 0 : i32
        %dma_wait3A_71 = tpu.memref_slice %arg4[%multiple_of3A, %dma_wait3A_70] : memref<2048x64xf32, #tpu.memory_space<hbm>> -> memref<256x64xf32, #tpu.memory_space<hbm>>
        %dma_wait3A_72 = arith.constant 0 : i32
        %dma_wait3A_73 = tpu.memref_slice %arg4[%multiple_of3A, %dma_wait3A_72] : memref<2048x64xf32, #tpu.memory_space<hbm>> -> memref<256x64xf32, #tpu.memory_space<hbm>>
        tpu.wait_dma2 semaphore(%run_scoped3A_65 : memref<!tpu.dma_semaphore, #tpu.memory_space<semaphore_mem>>) src(%dma_wait3A_73 : memref<256x64xf32, #tpu.memory_space<hbm>>) dst(%arg9 : memref<256x64xf32, #tpu.memory_space<vmem>>)
        tpu.yield
      }) : () -> ()
      %dma_wait3A = arith.constant 0 : i32
      %dma_wait3A_35 = arith.constant 0 : i32
      %dma_wait3A_36 = arith.constant 0 : i32
      %dma_wait3A_37 = tpu.memref_slice %arg7[%dma_wait3A_35, %dma_wait3A_36] : memref<256x128xf32, #tpu.memory_space<vmem>> -> memref<128x128xf32, #tpu.memory_space<vmem>>
      %dma_wait3A_38 = arith.constant 0 : i32
      %dma_wait3A_39 = tpu.memref_slice %arg6[%dma_wait3A, %dma_wait3A_38] : memref<2x128xi32, #tpu.memory_space<vmem>> -> memref<1x128xi32, #tpu.memory_space<vmem>>
      %dma_wait3A_40 = tpu.memref_squeeze %dma_wait3A_39 : memref<1x128xi32, #tpu.memory_space<vmem>> -> memref<128xi32, #tpu.memory_space<vmem>>
      %dma_wait3A_41 = arith.constant 0 : i32
      %dma_wait3A_42 = arith.constant 0 : i32
      %dma_wait3A_43 = tpu.memref_slice %arg3[%dma_wait3A_41, %dma_wait3A_42] : memref<1000000x128xf32, #tpu.memory_space<hbm>> -> memref<1000000x128xf32, #tpu.memory_space<hbm>>
      tpu.wait_indirect_dma semaphore(%arg10 : memref<!tpu.dma_semaphore, #tpu.memory_space<semaphore_mem>>) src(%dma_wait3A_43 : memref<1000000x128xf32, #tpu.memory_space<hbm>>) dst(%dma_wait3A_37 : memref<128x128xf32, #tpu.memory_space<vmem>>)
      %dma_wait3A_44 = arith.constant 1 : i32
      %dma_wait3A_45 = arith.constant 128 : i32
      %dma_wait3A_46 = arith.constant 0 : i32
      %dma_wait3A_47 = tpu.memref_slice %arg7[%dma_wait3A_45, %dma_wait3A_46] : memref<256x128xf32, #tpu.memory_space<vmem>> -> memref<128x128xf32, #tpu.memory_space<vmem>>
      %dma_wait3A_48 = arith.constant 0 : i32
      %dma_wait3A_49 = tpu.memref_slice %arg6[%dma_wait3A_44, %dma_wait3A_48] : memref<2x128xi32, #tpu.memory_space<vmem>> -> memref<1x128xi32, #tpu.memory_space<vmem>>
      %dma_wait3A_50 = tpu.memref_squeeze %dma_wait3A_49 : memref<1x128xi32, #tpu.memory_space<vmem>> -> memref<128xi32, #tpu.memory_space<vmem>>
      %dma_wait3A_51 = arith.constant 0 : i32
      %dma_wait3A_52 = arith.constant 0 : i32
      %dma_wait3A_53 = tpu.memref_slice %arg3[%dma_wait3A_51, %dma_wait3A_52] : memref<1000000x128xf32, #tpu.memory_space<hbm>> -> memref<1000000x128xf32, #tpu.memory_space<hbm>>
      tpu.wait_indirect_dma semaphore(%arg10 : memref<!tpu.dma_semaphore, #tpu.memory_space<semaphore_mem>>) src(%dma_wait3A_53 : memref<1000000x128xf32, #tpu.memory_space<hbm>>) dst(%dma_wait3A_47 : memref<128x128xf32, #tpu.memory_space<vmem>>)
      %scan3A_54 = arith.constant 0 : i32
      %scan3A_55 = arith.constant 0 : i32
      %scan3A_56 = arith.constant 256 : i32
      %scan3A_57 = arith.addi %scan3A_55, %scan3A_56 : i32
      %scan3A_58 = arith.constant 1 : i32
      %scan3A_59 = scf.for %scan3A_65 = %scan3A_55 to %scan3A_57 step %scan3A_58 iter_args(%scan3A_66 = %scan3A_54) -> (i32)  : i32 {
        %get3A = arith.index_cast %scan3A_65 : i32 to index
        %get3A_67 = arith.constant 0 : index
        %get3A_68 = tpu.vector_load %arg7[%get3A, %get3A_67] {strides = array<i32>} : memref<256x128xf32, #tpu.memory_space<vmem>>, vector<1x16xf32>,
        %get3A_69 = vector.shape_cast %get3A_68 : vector<1x16xf32> to vector<16xf32>
        %get3A_70 = arith.index_cast %scan3A_65 : i32 to index
        %get3A_71 = arith.constant 0 : index
        %get3A_72 = tpu.vector_load %arg9[%get3A_70, %get3A_71] {strides = array<i32>} : memref<256x64xf32, #tpu.memory_space<vmem>>, vector<1x16xf32>,
        %get3A_73 = vector.shape_cast %get3A_72 : vector<1x16xf32> to vector<16xf32>
        %add3A_74 = arith.addf %get3A_69, %get3A_73 : vector<16xf32>
        %swap3A = arith.index_cast %scan3A_65 : i32 to index
        %swap3A_75 = arith.constant 0 : index
        %swap3A_76 = tpu.vector_load %arg8[%swap3A, %swap3A_75] {strides = array<i32>} : memref<256x64xf32, #tpu.memory_space<vmem>>, vector<1x16xf32>,
        %swap3A_77 = vector.shape_cast %swap3A_76 : vector<1x16xf32> to vector<16xf32>
        %swap3A_78 = vector.shape_cast %add3A_74 : vector<16xf32> to vector<1x16xf32>
        tpu.vector_store %arg8[%swap3A, %swap3A_75], %swap3A_78 {strides = array<i32>} : memref<256x64xf32, #tpu.memory_space<vmem>>, vector<1x16xf32>,
        %get3A_79 = arith.index_cast %scan3A_65 : i32 to index
        %get3A_80 = arith.constant 16 : index
        %get3A_81 = tpu.vector_load %arg7[%get3A_79, %get3A_80] {strides = array<i32>} : memref<256x128xf32, #tpu.memory_space<vmem>>, vector<1x16xf32>,
        %get3A_82 = vector.shape_cast %get3A_81 : vector<1x16xf32> to vector<16xf32>
        %get3A_83 = arith.index_cast %scan3A_65 : i32 to index
        %get3A_84 = arith.constant 16 : index
        %get3A_85 = tpu.vector_load %arg9[%get3A_83, %get3A_84] {strides = array<i32>} : memref<256x64xf32, #tpu.memory_space<vmem>>, vector<1x16xf32>,
        %get3A_86 = vector.shape_cast %get3A_85 : vector<1x16xf32> to vector<16xf32>
        %add3A_87 = arith.addf %get3A_82, %get3A_86 : vector<16xf32>
        %swap3A_88 = arith.index_cast %scan3A_65 : i32 to index
        %swap3A_89 = arith.constant 16 : index
        %swap3A_90 = tpu.vector_load %arg8[%swap3A_88, %swap3A_89] {strides = array<i32>} : memref<256x64xf32, #tpu.memory_space<vmem>>, vector<1x16xf32>,
        %swap3A_91 = vector.shape_cast %swap3A_90 : vector<1x16xf32> to vector<16xf32>
        %swap3A_92 = vector.shape_cast %add3A_87 : vector<16xf32> to vector<1x16xf32>
        tpu.vector_store %arg8[%swap3A_88, %swap3A_89], %swap3A_92 {strides = array<i32>} : memref<256x64xf32, #tpu.memory_space<vmem>>, vector<1x16xf32>,
        %get3A_93 = arith.index_cast %scan3A_65 : i32 to index
        %get3A_94 = arith.constant 32 : index
        %get3A_95 = tpu.vector_load %arg7[%get3A_93, %get3A_94] {strides = array<i32>} : memref<256x128xf32, #tpu.memory_space<vmem>>, vector<1x16xf32>,
        %get3A_96 = vector.shape_cast %get3A_95 : vector<1x16xf32> to vector<16xf32>
        %get3A_97 = arith.index_cast %scan3A_65 : i32 to index
        %get3A_98 = arith.constant 32 : index
        %get3A_99 = tpu.vector_load %arg9[%get3A_97, %get3A_98] {strides = array<i32>} : memref<256x64xf32, #tpu.memory_space<vmem>>, vector<1x16xf32>,
        %get3A_100 = vector.shape_cast %get3A_99 : vector<1x16xf32> to vector<16xf32>
        %add3A_101 = arith.addf %get3A_96, %get3A_100 : vector<16xf32>
        %swap3A_102 = arith.index_cast %scan3A_65 : i32 to index
        %swap3A_103 = arith.constant 32 : index
        %swap3A_104 = tpu.vector_load %arg8[%swap3A_102, %swap3A_103] {strides = array<i32>} : memref<256x64xf32, #tpu.memory_space<vmem>>, vector<1x16xf32>,
        %swap3A_105 = vector.shape_cast %swap3A_104 : vector<1x16xf32> to vector<16xf32>
        %swap3A_106 = vector.shape_cast %add3A_101 : vector<16xf32> to vector<1x16xf32>
        tpu.vector_store %arg8[%swap3A_102, %swap3A_103], %swap3A_106 {strides = array<i32>} : memref<256x64xf32, #tpu.memory_space<vmem>>, vector<1x16xf32>,
        %get3A_107 = arith.index_cast %scan3A_65 : i32 to index
        %get3A_108 = arith.constant 48 : index
        %get3A_109 = tpu.vector_load %arg7[%get3A_107, %get3A_108] {strides = array<i32>} : memref<256x128xf32, #tpu.memory_space<vmem>>, vector<1x16xf32>,
        %get3A_110 = vector.shape_cast %get3A_109 : vector<1x16xf32> to vector<16xf32>
        %get3A_111 = arith.index_cast %scan3A_65 : i32 to index
        %get3A_112 = arith.constant 48 : index
        %get3A_113 = tpu.vector_load %arg9[%get3A_111, %get3A_112] {strides = array<i32>} : memref<256x64xf32, #tpu.memory_space<vmem>>, vector<1x16xf32>,
        %get3A_114 = vector.shape_cast %get3A_113 : vector<1x16xf32> to vector<16xf32>
        %add3A_115 = arith.addf %get3A_110, %get3A_114 : vector<16xf32>
        %swap3A_116 = arith.index_cast %scan3A_65 : i32 to index
        %swap3A_117 = arith.constant 48 : index
        %swap3A_118 = tpu.vector_load %arg8[%swap3A_116, %swap3A_117] {strides = array<i32>} : memref<256x64xf32, #tpu.memory_space<vmem>>, vector<1x16xf32>,
        %swap3A_119 = vector.shape_cast %swap3A_118 : vector<1x16xf32> to vector<16xf32>
        %swap3A_120 = vector.shape_cast %add3A_115 : vector<16xf32> to vector<1x16xf32>
        tpu.vector_store %arg8[%swap3A_116, %swap3A_117], %swap3A_120 {strides = array<i32>} : memref<256x64xf32, #tpu.memory_space<vmem>>, vector<1x16xf32>,
        %scan3A_121 = arith.constant 0 : i32
        scf.yield %scan3A_121 : i32
      }
      %scan3A_60 = arith.constant 256 : i32
      %mul3A_61 = arith.constant 2048 : i32
      %mul3A_62 = arith.muli %add3A, %mul3A_61 : i32
      %add3A_63 = arith.addi %mul3A_62, %multiple_of3A : i32
      "tpu.region"() ({
        %run_scoped3A_65 = tpu.sem_alloc : memref<!tpu.dma_semaphore, #tpu.memory_space<semaphore_mem>>
        %dma_start3A_66 = arith.constant 0 : i32
        %dma_start3A_67 = tpu.memref_slice %arg5[%add3A_63, %dma_start3A_66] : memref<65536x64xf32, #tpu.memory_space<hbm>> -> memref<256x64xf32, #tpu.memory_space<hbm>>
        %dma_start3A_68 = arith.constant 0 : i32
        %dma_start3A_69 = tpu.memref_slice %arg5[%add3A_63, %dma_start3A_68] : memref<65536x64xf32, #tpu.memory_space<hbm>> -> memref<256x64xf32, #tpu.memory_space<hbm>>
        tpu.enqueue_dma source(%arg8 : memref<256x64xf32, #tpu.memory_space<vmem>>) target(%dma_start3A_69 : memref<256x64xf32, #tpu.memory_space<hbm>>) target_semaphore(%run_scoped3A_65 : memref<!tpu.dma_semaphore, #tpu.memory_space<semaphore_mem>>)
        %dma_wait3A_70 = arith.constant 0 : i32
        %dma_wait3A_71 = tpu.memref_slice %arg5[%add3A_63, %dma_wait3A_70] : memref<65536x64xf32, #tpu.memory_space<hbm>> -> memref<256x64xf32, #tpu.memory_space<hbm>>
        %dma_wait3A_72 = arith.constant 0 : i32
        %dma_wait3A_73 = tpu.memref_slice %arg5[%add3A_63, %dma_wait3A_72] : memref<65536x64xf32, #tpu.memory_space<hbm>> -> memref<256x64xf32, #tpu.memory_space<hbm>>
        tpu.wait_dma2 semaphore(%run_scoped3A_65 : memref<!tpu.dma_semaphore, #tpu.memory_space<semaphore_mem>>) src(%arg8 : memref<256x64xf32, #tpu.memory_space<vmem>>) dst(%dma_wait3A_73 : memref<256x64xf32, #tpu.memory_space<hbm>>)
        tpu.yield
      }) : () -> ()
      %scan3A_64 = arith.constant 0 : i32
      scf.yield %scan3A_64 : i32
    }
    %scan3A_6 = arith.constant 8 : i32
    return
  }
}

</mosaic_0001>

<sc_bundles>
// kernel: kernel.3.cloned.1.call-start
scs
__scs_entry_jumppad:
0x0: {  	(pc) =	sbr.rel $0x88, $3  }
0x1: {  	(tag) =	ssettag $0x0;
	lr =	simm.s32 $0x1  }
0x2: {  	[smem:$0x3F9E] =	sst lr;
	_ =	strace $0xD0000000  }
0x3: {  	_ = 	snop  }
0x4: {  	_ = 	snop  }
0x5: {  	_ = 	snop  }
0x6: {  	_ = 	snop  }
0x7: {  	_ = 	snop  }
__scs_overlays_trampoline_lowered:
0x8: {  	[smem:$0x3FAD] =	sst s0  }
0x9: {  	[smem:$0x3FAE] =	sst s1  }
0xa: {  	[smem:$0x3FAF] =	sst s2  }
0xb: {  	[smem:$0x3FB0] =	sst s3  }
0xc: {  	[smem:$0x3FB1] =	sst s4  }
0xd: {  	[smem:$0x3FB2] =	sst s5  }
0xe: {  	[smem:$0x3FB3] =	sst s6  }
0xf: {  	[smem:$0x3FB4] =	sst s7  }
0x10: {  	[smem:$0x3FB5] =	sst s8  }
0x11: {  	[smem:$0x3FB6] =	sst s9;
	s0 =	simm.s32 @!p0 $0x0  }
0x12: {  	s1 =	sld [smem:$0x3F9C];
	s0 =	simm.s32 @p0 $0x1  }
0x13: {  	[smem:$0x3FB7] =	sst s0;
	s0 =	simm.s32 @!p1 $0x0  }
0x14: {  	s2 =	sld [smem:$0x3F9B];
	s0 =	simm.s32 @p1 $0x1  }
0x15: {  	[smem:$0x3FB8] =	sst s0;
	s0 =	simm.s32 @!p2 $0x0  }
0x16: {  	s3 =	sld [smem:$0x3FDB];
	s0 =	simm.s32 @p2 $0x1  }
0x17: {  	s4 =	simm.s32 $0x1BF5;
	[smem:$0x3FBA] =	sst s0  }
0x18: {  	s0 =	sld [smem:$0x3F9D];
	_ =	swait.ge [sflag:s4], $0x0  }
0x19: {  	s7 =	sld [smem:$0x3F9E]  }
0x1a: {  	s8 =	sadd.s32 $0xFFFFE003, lr  }
0x1b: {  	s9 =	sadd.s32 $0xFFFFFEF7, lr;
	s5 =	simm.s32 $0xFFFFFFFF;
	p2 =	slt.u32 s8, $0xFFFFF086  }
0x1c: {  	p1 =	slt.u32 s9, $0xF7A;
	s5 =	simm.s32 @!p2 $0x0  }
0x1d: {  	s5 =	simm.s32 @p1 $0x1;
	p0 =	seq.s32 s7, s2  }
0x1e: {  	s7 =	smul.u32 @!p0 $0xF7A, s2;
	p2 =	seq.s32 @!p0 s5, $0x0  }
0x1f: {  	s9 =	smul.u32 $0xF7A, s1;
	s8 =	simm.s32 @!p0 $0x1BF5;
	p2 =	por !p2, p0  }
0x20: {  	[sflag:s8] =	ssyncset.s32 @!p0 $0xFFFFF086;
	s6 =	sadd.s32 @!p0 s3, s7;
	s7 =	simm.s32 @!p0 $0x108  }
0x21: {  	s3 =	sadd.s32 s3, s9;
	s6 =	sadd.s32 @!p0 $0x88, s6;
	s7 =	simm.s32 @p2 $0x1082  }
0x22: {  	[simem:s7], [sflag:s8] =	dma.local @!p0 [hbm:s6], $0xF7A  }
0x23: {  	s9 =	sor.u32 $0xD0000000, s2;
	s6 =	simm.s32 $0x108;
	_ =	swait.ge @!p0 [sflag:s8], $0x0  }
0x24: {  	s3 =	sadd.s32 $0x88, s3;
	s6 =	simm.s32 @!p1 $0x1082;
	[sflag:s4] =	ssyncset.s32 $0xFFFFF086  }
0x25: {  	[simem:s6], [sflag:s4] =	dma.local [hbm:s3], $0xF7A  }
0x26: {  	[smem:$0x3F9E] =	sst s1;
	(tag) =	ssettag s2;
	_ =	strace s9  }
0x27: {  	s1 =	sld [smem:$0x3FAE]  }
0x28: {  	s2 =	sld [smem:$0x3FAF]  }
0x29: {  	s4 =	sld [smem:$0x3FB1]  }
0x2a: {  	p0 =	seq.s32 s5, $0x0;
	s5 =	sld [smem:$0x3FB2]  }
0x2b: {  	s6 =	sld [smem:$0x3FB3]  }
0x2c: {  	s7 =	sld [smem:$0x3FB4]  }
0x2d: {  	s3 =	simm.s32 $0x108;
	s8 =	sld [smem:$0x3FB5]  }
0x2e: {  	s3 =	simm.s32 @!p0 $0x1082;
	s9 =	sld [smem:$0x3FB6]  }
0x2f: {  	lr =	sadd.s32 s0, s3;
	s0 =	sld [smem:$0x3FAD]  }
0x30: {  	s3 =	sld [smem:$0x3FB0]  }
0x31: {  	[smem:$0x3FB9] =	sst s10  }
0x32: {  	s10 =	sld [smem:$0x3FB7];
	_ =	sdelay $0x3  }
0x33: {  	p0 =	seq.s32 s10, $0x1;
	s10 =	sld [smem:$0x3FB9];
	_ =	sdelay $0x3  }
0x34: {  	[smem:$0x3FB9] =	sst s10  }
0x35: {  	s10 =	sld [smem:$0x3FB8];
	_ =	sdelay $0x3  }
0x36: {  	p1 =	seq.s32 s10, $0x1;
	s10 =	sld [smem:$0x3FB9];
	_ =	sdelay $0x3  }
0x37: {  	[smem:$0x3FB9] =	sst s10  }
0x38: {  	s10 =	sld [smem:$0x3FBA]  }
0x39: {  	_ = 	snop;
	(pc) =	sbr.ind lr, $3  }
0x3a: {  	_ = 	snop  }
0x3b: {  	_ = 	snop  }
0x3c: {  	p2 =	seq.s32 s10, $0x1;
	s10 =	sld [smem:$0x3FB9]  }
0x3d: {  	_ =	shalt  }
0x3e: {  	_ =	shalt  }
0x3f: {  	_ =	shalt  }
0x40: {  	_ =	shalt  }
0x41: {  	_ =	shalt  }
0x42: {  	_ =	shalt  }
0x43: {  	_ =	shalt  }
0x44: {  	_ =	shalt  }
0x45: {  	_ =	shalt  }
0x46: {  	_ =	shalt  }
0x47: {  	_ =	shalt  }
0x48: {  	_ =	shalt  }
0x49: {  	_ =	shalt  }
0x4a: {  	_ =	shalt  }
0x4b: {  	_ =	shalt  }
0x4c: {  	_ =	shalt  }
0x4d: {  	_ =	shalt  }
0x4e: {  	_ =	shalt  }
0x4f: {  	_ =	shalt  }
0x50: {  	_ =	shalt  }
0x51: {  	_ =	shalt  }
0x52: {  	_ =	shalt  }
0x53: {  	_ =	shalt  }
0x54: {  	_ =	shalt  }
0x55: {  	_ =	shalt  }
0x56: {  	_ =	shalt  }
0x57: {  	_ =	shalt  }
0x58: {  	_ =	shalt  }
0x59: {  	_ =	shalt  }
0x5a: {  	_ =	shalt  }
0x5b: {  	_ =	shalt  }
0x5c: {  	_ =	shalt  }
0x5d: {  	_ =	shalt  }
0x5e: {  	_ =	shalt  }
0x5f: {  	_ =	shalt  }
0x60: {  	_ =	shalt  }
0x61: {  	_ =	shalt  }
0x62: {  	_ =	shalt  }
0x63: {  	_ =	shalt  }
0x64: {  	_ =	shalt  }
0x65: {  	_ =	shalt  }
0x66: {  	_ =	shalt  }
0x67: {  	_ =	shalt  }
0x68: {  	_ =	shalt  }
0x69: {  	_ =	shalt  }
0x6a: {  	_ =	shalt  }
0x6b: {  	_ =	shalt  }
0x6c: {  	_ =	shalt  }
0x6d: {  	_ =	shalt  }
0x6e: {  	_ =	shalt  }
0x6f: {  	_ =	shalt  }
0x70: {  	_ =	shalt  }
0x71: {  	_ =	shalt  }
0x72: {  	_ =	shalt  }
0x73: {  	_ =	shalt  }
0x74: {  	_ =	shalt  }
0x75: {  	_ =	shalt  }
0x76: {  	_ =	shalt  }
0x77: {  	_ =	shalt  }
0x78: {  	_ =	shalt  }
0x79: {  	_ =	shalt  }
0x7a: {  	_ =	shalt  }
0x7b: {  	_ =	shalt  }
0x7c: {  	_ =	shalt  }
0x7d: {  	_ =	shalt  }
0x7e: {  	_ =	shalt  }
0x7f: {  	_ =	shalt  }
0x80: {  	_ =	shalt  }
0x81: {  	_ =	shalt  }
0x82: {  	_ =	shalt  }
0x83: {  	_ =	shalt  }
0x84: {  	_ =	shalt  }
0x85: {  	_ =	shalt  }
0x86: {  	_ =	shalt  }
0x87: {  	_ =	shalt  }
.Lfunc_end0:
.L_simem_size_0:
called_computation_lowered:
.L_overlay_start_0:
0x88: {  	s2 =	sld [smem:$0x3FD9]  }
0x89: {  	s3 =	sld [smem:$0x3FFE];
	_ =	sdelay $0x1  }
0x8a: {  	s1 =	srdreg.scid  }
0x8b: {  	s0 =	sand.u32 $0x1, s1  }
0x8c: {  	s17 =	sshll.u32 s0, $0xA;
	s2 =	sadd.s32 s3, s2  }
0x8d: {  	s2 =	sadd.s32 s2, s17  }
0x8e: {  	[smem:$0x3FC5] =	sst s2  }
0x8f: {  	_ = 	snop  }
0x90: {  	s2 =	sld [smem:$0x3FC9]  }
0x91: {  	s18 =	sld [smem:$0x3FD0];
	(tm) =	ssettm $0x1  }
0x92: {  	s4 =	sld [smem:$0x3FFB];
	_ =	sdelay $0x3  }
0x93: {  	_ =	strace s4  }
0x94: {  	s4 =	sld [smem:$0x3FFC];
	_ =	sdelay $0x3  }
0x95: {  	_ =	strace s4  }
0x96: {  	s4 =	sld [smem:$0x3FFD];
	_ =	sdelay $0x3  }
0x97: {  	_ =	strace s4  }
0x98: {  	_ =	strace $0x8FFFFFFF  }
0x99: {  	s19 =	sld [smem:$0x3FDB];
	_ =	sdelay $0x1  }
0x9a: {  	s5 =	simm.s32 $_scs_section_size  }
0x9b: {  	s6 =	simm.s32 $_size__tile_overlayer_lowered;
	s7 =	simm.s32 $_tile_overlayer_lowered  }
0x9c: {  	s22 =	simm.s32 $0x1BFF;
	s21 =	sshll.u32 s7, $0x1;
	s4 =	sadd.s32 s5, s19  }
0x9d: {  	s8 =	simm.s32 $0x0;
	s20 =	sshll.u32 s6, $0x1;
	s6 =	sadd.s32 s21, s4  }
0x9e: {  	[timem:s8], [sflag:s22] =	dma.local [hbm:s6], s20  }
0x9f: {  	_ =	swait.ge [sflag:s22], s20  }
0xa0: {  	s5 =	ssub.s32 $0x0, s20;
	[sflag:s22] =	ssyncset.done $0x0  }
0xa1: {  	[sflag:s22] =	ssyncadd.s32 s5;
	_ =	sdelay $0x1  }
0xa2: {  	s23 =	simm.s32 $0x1B8B  }
0xa3: {  	_ =	swait.ge [sflag:s23], $0x1  }
0xa4: {  	[sflag:s23] =	ssyncset.done $0x0  }
0xa5: {  	s25 =	simm.s32 $0x1B8E;
	s24 =	sld [smem:$0x3FFE];
	[sflag:s23] =	ssyncadd.s32 $0xFFFFFFFF  }
0xa6: {  	s26 =	simm.s32 $execute0_lowered;
	[smem:$0x3FD2] =	sst s25  }
0xa7: {  	s6 =	sshll.u32 s26, $0x1;
	_ =	strace $0x80000046;
	[dreg:$0x1] =	wrdreg $0xFFFFFFFF  }
0xa8: {  	s28 =	simm.s32 $_size_execute0_lowered;
	s4 =	sadd.s32 s4, s6;
	[dreg:$0x0] =	wrdreg $0x0  }
0xa9: {  	s6 =	sshll.u32 s28, $0x1;
	[dreg:$0x2] =	wrdreg s4  }
0xaa: {  	[dreg:$0x3] =	wrdreg s6  }
0xab: {  	[dreg:$0x4] =	wrdreg $0xC0  }
0xac: {  	_ =	task [dreg:s8], $0x5FFFF  }
0xad: {  	[dreg:$0x1] =	wrdreg $0xFFFFFFFF  }
0xae: {  	[dreg:$0x0] =	wrdreg $0x60  }
0xaf: {  	[dreg:$0x2] =	wrdreg s2  }
0xb0: {  	[dreg:$0x3] =	wrdreg s24  }
0xb1: {  	[dreg:$0x4] =	wrdreg s18  }
0xb2: {  	[dreg:$0x5] =	wrdreg $0x9  }
0xb3: {  	_ =	task.clear_ibuf [dreg:s8], $0x6FFFF;
	_ =	strace $0x90000046  }
0xb4: {  	s29 =	simm.s32 $0x9;
	_ =	strace $0x80000048  }
0xb5: {  	_ =	swait.ge [sflag:s29], $0x1  }
0xb6: {  	[sflag:s29] =	ssyncadd.s32 $0xFFFFFFFF  }
0xb7: {  	_ =	strace $0x90000048  }
0xb8: {  	_ =	sfence  }
0xb9: {  	s30 =	sld [smem:$0x0];
	_ =	sdelay $0x2  }
0xba: {  	s31 =	sshll.u32 s1, $0xD;
	s1 =	sshrl.u32 s1, $0x2  }
0xbb: {  	s3 =	sand.u32 $0x4000, s31;
	s1 =	sadd.s32 s1, s30  }
0xbc: {  	s0 =	sor.u32 s3, s0;
	s1 =	sshll.u32 s1, $0x11  }
0xbd: {  	s0 =	sor.u32 s1, s0  }
0xbe: {  	s0 =	sadd.s32 $0x8F2B, s0  }
0xbf: {  	[sflag:s0] =	ssyncadd.remote.s32 $0x1  }
0xc0: {  	_ =	sfence.sel $0xFFFF  }
0xc1: {  	[dreg:$0x0] =	wrdreg $0xFFFFFFFF;
	(pc) =	sbr.abs _section_cstart, $3  }
0xc2: {  	[dreg:$0x1] =	wrdreg $0xFFFFFFFF  }
0xc3: {  	_ =	task.clear_ibuf [dreg:s8], $0x2FFFF;
	_ =	strace $0x9FFFFFFF  }
0xc4: {  	(tm) =	ssettm $0x7FFFFFFF  }
0xc5: {  	_ =	shalt  }
tec
execute0_lowered:
.L_overlay_start_1:
0x0: {  	(tag) =	ssettag $0x1  }
0x1: {  	s1 =	rddreg [dreg:$0x0]  }
0x2: {  	s6 =	rddreg [dreg:$0x1]  }
0x3: {  	s3 =	rddreg [dreg:$0x2]  }
0x4: {  	s0 =	rddreg [dreg:$0x3];
	s4 =	simm.s32 $0x0  }
0x5: {  	s5 =	srdreg.scid;
	s2 =	stileid.u32;
	s11 =	simm.s32 $0x100  }
0x6: {  	s12 =	simm.s32 $0x4100;
	s13 =	simm.s32 $0x10100;
	s14 =	simm.s32 $0x1  }
0x7: {  	s15 =	simm.s32 $0x8100;
	s16 =	simm.s32 $0x0;
	[smem:$0x7FF] =	sst s4  }
0x8: {  	s7 =	sand.u32 $0x1, s5;
	s29 =	sshll.u32 s2, $0x1;
	s5 =	sadd.s32 $0xF42A00, s6  }
0x9: {  	s10 =	sshll.u32 s2, $0xC;
	_ =	strace $0x80000047;
	s8 =	sor.u32 s7, s29  }
0xa: {  	s7 =	ssub.s32 $0x2, s7;
	s9 =	sshll.u32 s8, $0xF;
	s8 =	sshll.u32 s8, $0x7  }
0xb: {  	s30 =	sshrl.u32 s7, $0x1;
	s9 =	sadd.s32 s9, s6;
	s8 =	sor.u32 s10, s8  }
0xc: {  	s31 =	ssub.s32 s7, s30;
	s10 =	simm.s32 $0x80;
	s6 =	sand.u32 $0xC380, s8  }
0xd: {  	s7 =	sadd.s32 $0x600, s9;
	s8 =	smax.u32 s31, $0x1;
	s9 =	simm.s32 $0x2  }
.LBB2_1:
0xe: {  	s17 =	simm.s32 $0x0  }
.LBB2_2:
0xf: {  	s18 =	sshll.u32 s17, $0xB  }
0x10: {  	s18 =	sor.u32 s18, s6  }
0x11: {  	s18 =	sshrl.u32 s18, $0x3  }
0x12: {  	s19 =	simm.s32 $0x0;
	s18 =	sadd.s32 s1, s18  }
0x13: {  	[tilespmem:s19], [sflag:$0x2] =	stream.linear.gather [hbm4b:s18+s19], $0x80, $0x38;
	[tilespmem:$0x18100] =	vst v63  }
0x14: {  	_ =	swait.ge [sflag:s9], $0x80  }
0x15: {  	[sflag:s9] =	ssyncset.done $0x0  }
0x16: {  	s18 =	sadd.s32 $0x80, s18;
	[sflag:s9] =	ssyncadd.s32 $0xFFFFFF80  }
0x17: {  	[tilespmem:s10], [sflag:$0x2] =	stream.linear.gather [hbm4b:s18+s19], $0x80, $0x38;
	[tilespmem:$0x18100] =	vst v63  }
0x18: {  	_ =	swait.ge [sflag:s9], $0x80  }
0x19: {  	[sflag:s9] =	ssyncset.done $0x0  }
0x1a: {  	[sflag:s9] =	ssyncadd.s32 $0xFFFFFF80  }
0x1b: {  	[tilespmem:s11], [sflag:$0x1] =	stream.indirect.gather [hbm4b:s5+s10], $0x80, s19, s10, $0xb8;
	[tilespmem:$0x18100] =	vst v63  }
0x1c: {  	s18 =	sshll.u32 s17, $0xC  }
0x1d: {  	[tilespmem:s12], [sflag:$0x1] =	stream.indirect.gather [hbm4b:s5+s10], $0x80, s10, s10, $0xb8;
	[tilespmem:$0x18100] =	vst v63  }
0x1e: {  	s20 =	sadd.s32 s3, s18  }
0x1f: {  	[tilespmem:s13], [sflag:$0x2] =	stream.linear.gather [hbm4b:s20+s19], $0x8000, $0x38;
	[tilespmem:$0x18100] =	vst v63  }
0x20: {  	_ =	swait.ge [sflag:s9], $0x8000  }
0x21: {  	[sflag:s9] =	ssyncset.done $0x0  }
0x22: {  	[sflag:s9] =	ssyncadd.s32 $0xFFFF8000  }
0x23: {  	_ =	swait.ge [sflag:s14], $0x4000  }
0x24: {  	[sflag:s14] =	ssyncset.done $0x0  }
0x25: {  	[sflag:s14] =	ssyncadd.s32 $0xFFFFC000  }
0x26: {  	_ =	swait.ge [sflag:s14], $0x4000  }
0x27: {  	[sflag:s14] =	ssyncset.done $0x0  }
0x28: {  	s19 =	simm.s32 $0x0;
	[sflag:s14] =	ssyncadd.s32 $0xFFFFC000  }
0x29: {  	v2 =	vld [tilespmem:s19+$0x130]  }
0x2a: {  	v4 =	vld [tilespmem:s19+$0x10130]  }
0x2b: {  	v5 =	vld [tilespmem:s19+$0x100]  }
0x2c: {  	v6 =	vld [tilespmem:s19+$0x10100]  }
0x2d: {  	v1 =	vld [tilespmem:s19+$0x110]  }
0x2e: {  	v3 =	vld [tilespmem:s19+$0x10110]  }
0x2f: {  	v0 =	vld [tilespmem:s19+$0x120];
	v7 =	vadd.f32 v4, v2  }
0x30: {  	s20 =	simm.s32 $0x80;
	v4 =	vld [tilespmem:s19+$0x10120]  }
0x31: {  	s21 =	simm.s32 $0x400;
	v2 =	vld [tilespmem:s20+$0x130];
	v5 =	vadd.f32 v6, v5;
	[tilespmem:s19+$0x8130] =	vst v7  }
.LBB2_3:
0x32: {  	p0 =	sne.s32 s21, $0x1FE00;
	v6 =	vld [tilespmem:s20+$0x10130]  }
0x33: {  	v7 =	vld [tilespmem:s20+$0x100];
	[tilespmem:s19+$0x8100] =	vst v5;
	v3 =	vadd.f32 v3, v1  }
0x34: {  	v5 =	vld [tilespmem:s20+$0x10100]  }
.Ltmp0:
0x35: {  	v1 =	vld [tilespmem:s20+$0x110];
	[tilespmem:s19+$0x8110] =	vst v3;
	v4 =	vadd.f32 v4, v0;
	(pc) =	sbr.rel @p0 .LBB2_3-.Ltmp0, $4  }
0x36: {  	v3 =	vld [tilespmem:s20+$0x10110]  }
0x37: {  	v0 =	vld [tilespmem:s20+$0x120];
	v6 =	vadd.f32 v6, v2;
	[tilespmem:s19+$0x8120] =	vst v4;
	s19 =	smov.u32 s20  }
0x38: {  	s20 =	sshra.s32 s21, $0x2;
	v4 =	vld [tilespmem:s19+$0x10120]  }
0x39: {  	s21 =	sadd.s32 $0x200, s21;
	v2 =	vld [tilespmem:s20+$0x130];
	v5 =	vadd.f32 v5, v7;
	[tilespmem:s19+$0x8130] =	vst v6  }
0x3a: {  	v6 =	vld [tilespmem:s20+$0x10130]  }
0x3b: {  	v7 =	vld [tilespmem:s20+$0x100];
	[tilespmem:s19+$0x8100] =	vst v5;
	v1 =	vadd.f32 v3, v1  }
0x3c: {  	v62 =	vld [tilespmem:s20+$0x10100]  }
0x3d: {  	v5 =	vld [tilespmem:s20+$0x110];
	[tilespmem:s19+$0x8110] =	vst v1;
	v0 =	vadd.f32 v4, v0  }
0x3e: {  	v1 =	vld [tilespmem:s20+$0x10110]  }
0x3f: {  	v63 =	vld [tilespmem:s20+$0x120];
	[tilespmem:s19+$0x8120] =	vst v0  }
0x40: {  	v0 =	vld [tilespmem:s20+$0x10120];
	_ =	sdelay $0x1  }
0x41: {  	v2 =	vadd.f32 v6, v2  }
0x42: {  	v3 =	vadd.f32 v62, v7  }
0x43: {  	[tilespmem:s20+$0x8130] =	vst v2;
	v1 =	vadd.f32 v1, v5  }
0x44: {  	s17 =	sadd.s32 $0x1, s17;
	[tilespmem:s20+$0x8100] =	vst v3;
	v0 =	vadd.f32 v0, v63  }
0x45: {  	p0 =	sne.s32 s17, $0x8;
	[tilespmem:s20+$0x8110] =	vst v1  }
.Ltmp1:
0x46: {  	s18 =	sadd.s32 s18, s7;
	[tilespmem:s20+$0x8120] =	vst v0;
	(pc) =	sbr.rel @p0 .LBB2_2-.Ltmp1, $4  }
0x47: {  	[hbm4b:s18+s4] =	stream.linear.scatter [tilespmem:s15], [sflag:$0x2], $0x8000, $0x38;
	[tilespmem:$0x18100] =	vst v63  }
0x48: {  	_ =	swait.ge [sflag:s9], $0x8000  }
0x49: {  	[sflag:s9] =	ssyncset.done $0x0  }
0x4a: {  	[sflag:s9] =	ssyncadd.s32 $0xFFFF8000  }
0x4b: {  	s16 =	sadd.s32 $0x1, s16  }
0x4c: {  	p0 =	sne.s32 s16, s8  }
.Ltmp2:
0x4d: {  	_ = 	snop;
	(pc) =	sbr.rel @p0 .LBB2_1-.Ltmp2, $1  }
0x4e: {  	_ =	sdelay $0x3  }
0x4f: {  	_ =	sfence.sel $0x180000  }
0x50: {  	[bflag:$0x0] =	sbarrier.arrive $0xFFFF  }
0x51: {  	p0 =	sne.s32 s2, $0x0;
	_ =	strace $0x90000047  }
0x52: {  	s0 =	sadd.s32 @!p0 $0x100000, s0;
	[bflag:$0x2] =	sbarrier.arrive $0xFFFF  }
0x53: {  	[sflag:s0] =	ssyncadd.tile.s32 @!p0 $0x1;
	_ =	shalt  }
.Lfunc_end2:
_tile_overlayer_lowered:
.L_overlay_start_2:
0x54: {  	(tag) =	ssettag $0x2  }
0x55: {  	s0 =	rddreg [dreg:$0x0];
	s2 =	stileid.u32  }
0x56: {  	s1 =	rddreg [dreg:$0x1];
	p0 =	sne.s32 s2, $0x0  }
0x57: {  	s3 =	rddreg [dreg:$0x2];
	[bflag:$0x3] =	sbarrier.arrive $0xFFFF;
	s2 =	simm.s32 @!p0 $0x1C02  }
0x58: {  	[timem:s3], [sflag:s2] =	dma.local @!p0 [hbm:s0], s1  }
0x59: {  	s0 =	simm.s32 @!p0 $0x2  }
0x5a: {  	_ =	swait.ge @!p0 [sflag:s0], s1  }
0x5b: {  	s1 =	ssub.s32 @!p0 $0x0, s1;
	[sflag:s0] =	ssyncset.done @!p0 $0x0  }
0x5c: {  	[sflag:s0] =	ssyncadd.s32 @!p0 s1  }
0x5d: {  	[bflag:$0x3] =	sbarrier.arrive $0xFFFF  }
0x5e: {  	_ =	shalt  }

</sc_bundles>
